<compile_context>
chip_gen: v7x
topology: tpu7x:2x2x1
jax: 0.10.2.dev20260603
libtpu: 0.0.44.dev20260713+nightly
codegen_flags: <defaults>
</compile_context>

<pallas_src>
import functools

import jax
import jax.numpy as jnp
from jax import lax
from jax.experimental import pallas as pl
from jax.experimental.pallas import tpu as pltpu
from jax.experimental.pallas import tpu_sc as plsc

_N_CODES = 8192
_CODE_DIM = 32
_BETA = 0.25
_ROWS_PER_BLOCK = 1024
_ARG_CHUNK = 2048


def _vq_tc_kernel(z_ref, z2_ref, e2_ref, cb_ref,
                  codes_ref, counts_ref, losspart_ref):
    z = z_ref[...]
    z2 = z2_ref[...]
    e2 = e2_ref[...]
    rows = z.shape[0]

    run_min = jnp.full((rows, 1), jnp.inf, dtype=jnp.float32)
    run_val = jnp.zeros((rows, 1), dtype=jnp.float32)
    run_idx = jnp.zeros((rows, 1), dtype=jnp.int32)
    lanes = lax.broadcasted_iota(jnp.int32, (rows, _ARG_CHUNK), 1)

    zb = z.astype(jnp.bfloat16)
    for j in range(_N_CODES // _ARG_CHUNK):
        cbj = cb_ref[j * _ARG_CHUNK:(j + 1) * _ARG_CHUNK, :]
        ze = lax.dot_general(zb, cbj.astype(jnp.bfloat16),
                             (((1,), (1,)), ((), ())),
                             preferred_element_type=jnp.float32)
        e2j = e2[:, j * _ARG_CHUNK:(j + 1) * _ARG_CHUNK]
        dist = (z2 + e2j) - 2.0 * ze
        cmin = jnp.min(dist, axis=1, keepdims=True)
        cidx = jnp.min(jnp.where(dist == cmin, lanes, jnp.int32(2**30)),
                       axis=1, keepdims=True) + j * _ARG_CHUNK
        upd = cmin < run_min
        run_idx = jnp.where(upd, cidx, run_idx)
        run_val = jnp.where(upd, cmin, run_val)
        run_min = jnp.where(
            upd, cmin.astype(jnp.bfloat16).astype(jnp.float32), run_min)

    codes_ref[...] = run_idx

    count_chunks = []
    for j in range(_N_CODES // _ARG_CHUNK):
        onehot = (run_idx == lanes + j * _ARG_CHUNK).astype(jnp.float32)
        count_chunks.append(jnp.sum(onehot, axis=0, keepdims=True))
    counts_ref[...] = jnp.concatenate(count_chunks, axis=1)[None]
    losspart_ref[...] = jnp.sum(jnp.maximum(run_val, 0.0)).reshape(1, 1, 1)


def _vq_finish_kernel(counts_ref, losspart_ref, loss_ref, perp_ref):
    counts = jnp.sum(counts_ref[...], axis=0)
    total_rows = jnp.float32(counts_ref.shape[0] * _ROWS_PER_BLOCK)
    m = jnp.sum(losspart_ref[...]) / (total_rows * _CODE_DIM)
    loss_ref[...] = (m + _BETA * m).reshape(1, 1)
    avg = counts / total_rows
    ent = jnp.sum(avg * jnp.log(avg + 1e-10))
    perp_ref[...] = jnp.exp(-ent).reshape(1, 1)


def _make_sc_gather(n_rows, dim):
    info = plsc.get_sparse_core_info()
    n_workers = info.num_cores * info.num_subcores
    b_per_w = n_rows // n_workers
    mesh = plsc.VectorSubcoreMesh(core_axis_name="c", subcore_axis_name="s")
    n_sub = (b_per_w + 127) // 128
    sub = b_per_w // n_sub

    @functools.partial(
        pl.kernel, mesh=mesh,
        out_type=jax.ShapeDtypeStruct((n_rows, dim), jnp.float32),
        scratch_types=[
            pltpu.VMEM((b_per_w,), jnp.int32),
            pltpu.VMEM((b_per_w, dim), jnp.float32),
            pltpu.SemaphoreType.DMA,
        ],
    )
    def gather_kernel(table_hbm, idx_hbm, out_hbm, idx_v, rows_v, sem):
        wid = (lax.axis_index("s") * info.num_cores + lax.axis_index("c"))
        base = wid * b_per_w
        pltpu.sync_copy(idx_hbm.at[pl.ds(base, b_per_w)], idx_v)
        for k in range(n_sub):
            pltpu.async_copy(table_hbm.at[idx_v.at[pl.ds(k * sub, sub)]],
                             rows_v.at[pl.ds(k * sub, sub)], sem).wait()
        pltpu.sync_copy(rows_v, out_hbm.at[pl.ds(base, b_per_w)])

    return gather_kernel


def kernel(z_e, codebook):
    B, K, C = z_e.shape
    n_rows = B * K
    z = z_e.reshape(n_rows, C)
    z2 = jnp.sum(z ** 2, axis=1, keepdims=True)
    e2 = jnp.sum(codebook ** 2, axis=1)[None, :]

    grid = n_rows // _ROWS_PER_BLOCK
    codes, counts8, losspart = pl.pallas_call(
        _vq_tc_kernel,
        grid=(grid,),
        in_specs=[
            pl.BlockSpec((_ROWS_PER_BLOCK, C), lambda i: (i, 0)),
            pl.BlockSpec((_ROWS_PER_BLOCK, 1), lambda i: (i, 0)),
            pl.BlockSpec((1, _N_CODES), lambda i: (0, 0)),
            pl.BlockSpec((_N_CODES, C), lambda i: (0, 0)),
        ],
        out_specs=[
            pl.BlockSpec((_ROWS_PER_BLOCK, 1), lambda i: (i, 0)),
            pl.BlockSpec((1, 1, _N_CODES), lambda i: (i, 0, 0)),
            pl.BlockSpec((1, 1, 1), lambda i: (i, 0, 0)),
        ],
        out_shape=[
            jax.ShapeDtypeStruct((n_rows, 1), jnp.int32),
            jax.ShapeDtypeStruct((grid, 1, _N_CODES), jnp.float32),
            jax.ShapeDtypeStruct((grid, 1, 1), jnp.float32),
        ],
        compiler_params=pltpu.CompilerParams(
            dimension_semantics=("parallel",)),
    )(z, z2, e2, codebook)

    loss, perp = pl.pallas_call(
        _vq_finish_kernel,
        out_shape=[
            jax.ShapeDtypeStruct((1, 1), jnp.float32),
            jax.ShapeDtypeStruct((1, 1), jnp.float32),
        ],
    )(counts8, losspart)

    idx_flat = codes.reshape(n_rows)
    cb_pad = jnp.pad(codebook, ((0, 0), (0, 128 - C)))
    zq = _make_sc_gather(n_rows, 128)(cb_pad, idx_flat)[:, :C]

    z_q_st = zq.reshape(B, K, C)
    codes_out = codes.reshape(B, K)
    return (z_q_st, codes_out, loss.reshape(()), perp.reshape(()))

# --- scband reference (transcript-rebuilt; emitter-appended) ---
"""Pipeline reference for scband-vector-quantizer-2130303779178 (READ-ONLY COPY).

The authoritative reference and input builder live on the scoring server;
editing this copy changes nothing except your own understanding.
"""

import jax, jax.numpy as jnp
import numpy as np

N_CODES = 8192
CODE_DIM = 32
BETA = 0.25


def setup_inputs(seed: int = 0) -> dict:
    key = jax.random.key(seed)
    k1, k2 = jax.random.split(key)
    z_e = jax.random.normal(k1, (8, 1024, CODE_DIM), dtype=jnp.float32)
    codebook = jax.random.uniform(
        k2, (N_CODES, CODE_DIM), dtype=jnp.float32,
        minval=-1.0 / N_CODES, maxval=1.0 / N_CODES)
    return {"z_e": z_e, "codebook": codebook}


def reference(z_e, codebook):
    B, K, C = z_e.shape
    z = z_e.reshape(-1, C)
    z2 = jnp.sum(z ** 2, axis=1, keepdims=True)
    e2 = jnp.sum(codebook ** 2, axis=1)[None, :]
    ze = z @ codebook.T
    dist = z2 + e2 - 2.0 * ze
    idx = jnp.argmin(dist, axis=1)
    z_q = jnp.take(codebook, idx, axis=0).reshape(B, K, C)
    z_q_st = z_e + jax.lax.stop_gradient(z_q - z_e)
    loss_codebook = jnp.mean((z_q - jax.lax.stop_gradient(z_e)) ** 2)
    loss_commit = jnp.mean((z_e - jax.lax.stop_gradient(z_q)) ** 2)
    loss_vq = loss_codebook + BETA * loss_commit
    onehot = jax.nn.one_hot(idx, N_CODES, dtype=jnp.float32)
    avg = jnp.mean(onehot, axis=0)
    perplexity = jnp.exp(-jnp.sum(avg * jnp.log(avg + 1e-10)))
    codes = idx.reshape(B, K)
    return (z_q_st, codes, loss_vq, perplexity)

if __name__ == "__main__":
    import jax
    _d = setup_inputs()
    print(jax.jit(kernel)(*tuple(_d.values())))

</pallas_src>

<mosaic_0001>
#map = affine_map<(d0, d1) -> (0, 0)>
#map1 = affine_map<(d0, d1) -> (0)>
module attributes {stable_mosaic.version = 14 : i64} {
  func.func @gather_kernel(%arg0: i32, %arg1: i32, %arg2: memref<8192x128xf32, #tpu.memory_space<hbm>>, %arg3: memref<8192xi32, #tpu.memory_space<hbm>>, %arg4: memref<8192x128xf32, #tpu.memory_space<hbm>>, %arg5: memref<256xi32, #tpu.memory_space<vmem>>, %arg6: memref<256x128xf32, #tpu.memory_space<vmem>>, %arg7: memref<!tpu.dma_semaphore, #tpu.memory_space<semaphore_mem>>) attributes {dimension_semantics = [#tpu.dimension_semantics<core_parallel>, #tpu.dimension_semantics<subcore_parallel>], iteration_bounds = array<i64: 2, 16>, scalar_prefetch = 0 : i64, scratch_operands = 3 : i64, tpu.core_type = #tpu.core_type<sc_vector_subcore>, window_params = [{transform_indices = #map}, {transform_indices = #map1}, {transform_indices = #map}]} {
    %mul3A = arith.constant 2 : i32
    %mul3A_0 = arith.muli %arg1, %mul3A : i32
    %add3A = arith.addi %mul3A_0, %arg0 : i32
    %mul3A_1 = arith.constant 256 : i32
    %mul3A_2 = arith.muli %add3A, %mul3A_1 : i32
    "tpu.region"() ({
      %run_scoped3A = tpu.sem_alloc : memref<!tpu.dma_semaphore, #tpu.memory_space<semaphore_mem>>
      %dma_start3A_33 = tpu.memref_slice %arg3[%mul3A_2] : memref<8192xi32, #tpu.memory_space<hbm>> -> memref<256xi32, #tpu.memory_space<hbm>>
      %dma_start3A_34 = tpu.memref_slice %arg3[%mul3A_2] : memref<8192xi32, #tpu.memory_space<hbm>> -> memref<256xi32, #tpu.memory_space<hbm>>
      tpu.enqueue_dma source(%dma_start3A_34 : memref<256xi32, #tpu.memory_space<hbm>>) target(%arg5 : memref<256xi32, #tpu.memory_space<vmem>>) target_semaphore(%run_scoped3A : memref<!tpu.dma_semaphore, #tpu.memory_space<semaphore_mem>>)
      %dma_wait3A_35 = tpu.memref_slice %arg3[%mul3A_2] : memref<8192xi32, #tpu.memory_space<hbm>> -> memref<256xi32, #tpu.memory_space<hbm>>
      %dma_wait3A_36 = tpu.memref_slice %arg3[%mul3A_2] : memref<8192xi32, #tpu.memory_space<hbm>> -> memref<256xi32, #tpu.memory_space<hbm>>
      tpu.wait_dma2 semaphore(%run_scoped3A : memref<!tpu.dma_semaphore, #tpu.memory_space<semaphore_mem>>) src(%dma_wait3A_36 : memref<256xi32, #tpu.memory_space<hbm>>) dst(%arg5 : memref<256xi32, #tpu.memory_space<vmem>>)
      tpu.yield
    }) : () -> ()
    %dma_start3A = arith.constant 0 : i32
    %dma_start3A_3 = arith.constant 0 : i32
    %dma_start3A_4 = tpu.memref_slice %arg6[%dma_start3A, %dma_start3A_3] : memref<256x128xf32, #tpu.memory_space<vmem>> -> memref<128x128xf32, #tpu.memory_space<vmem>>
    %dma_start3A_5 = arith.constant 0 : i32
    %dma_start3A_6 = tpu.memref_slice %arg5[%dma_start3A_5] : memref<256xi32, #tpu.memory_space<vmem>> -> memref<128xi32, #tpu.memory_space<vmem>>
    %dma_start3A_7 = arith.constant 0 : i32
    %dma_start3A_8 = arith.constant 0 : i32
    %dma_start3A_9 = tpu.memref_slice %arg2[%dma_start3A_7, %dma_start3A_8] : memref<8192x128xf32, #tpu.memory_space<hbm>> -> memref<8192x128xf32, #tpu.memory_space<hbm>>
    tpu.enqueue_indirect_dma source(%dma_start3A_9 : memref<8192x128xf32, #tpu.memory_space<hbm>>) target(%dma_start3A_4 : memref<128x128xf32, #tpu.memory_space<vmem>>) offsets(%dma_start3A_6 : memref<128xi32, #tpu.memory_space<vmem>>) semaphore(%arg7 : memref<!tpu.dma_semaphore, #tpu.memory_space<semaphore_mem>>)
    %dma_wait3A = arith.constant 0 : i32
    %dma_wait3A_10 = arith.constant 0 : i32
    %dma_wait3A_11 = tpu.memref_slice %arg6[%dma_wait3A, %dma_wait3A_10] : memref<256x128xf32, #tpu.memory_space<vmem>> -> memref<128x128xf32, #tpu.memory_space<vmem>>
    %dma_wait3A_12 = arith.constant 0 : i32
    %dma_wait3A_13 = tpu.memref_slice %arg5[%dma_wait3A_12] : memref<256xi32, #tpu.memory_space<vmem>> -> memref<128xi32, #tpu.memory_space<vmem>>
    %dma_wait3A_14 = arith.constant 0 : i32
    %dma_wait3A_15 = arith.constant 0 : i32
    %dma_wait3A_16 = tpu.memref_slice %arg2[%dma_wait3A_14, %dma_wait3A_15] : memref<8192x128xf32, #tpu.memory_space<hbm>> -> memref<8192x128xf32, #tpu.memory_space<hbm>>
    tpu.wait_indirect_dma semaphore(%arg7 : memref<!tpu.dma_semaphore, #tpu.memory_space<semaphore_mem>>) src(%dma_wait3A_16 : memref<8192x128xf32, #tpu.memory_space<hbm>>) dst(%dma_wait3A_11 : memref<128x128xf32, #tpu.memory_space<vmem>>)
    %dma_start3A_17 = arith.constant 128 : i32
    %dma_start3A_18 = arith.constant 0 : i32
    %dma_start3A_19 = tpu.memref_slice %arg6[%dma_start3A_17, %dma_start3A_18] : memref<256x128xf32, #tpu.memory_space<vmem>> -> memref<128x128xf32, #tpu.memory_space<vmem>>
    %dma_start3A_20 = arith.constant 128 : i32
    %dma_start3A_21 = tpu.memref_slice %arg5[%dma_start3A_20] : memref<256xi32, #tpu.memory_space<vmem>> -> memref<128xi32, #tpu.memory_space<vmem>>
    %dma_start3A_22 = arith.constant 0 : i32
    %dma_start3A_23 = arith.constant 0 : i32
    %dma_start3A_24 = tpu.memref_slice %arg2[%dma_start3A_22, %dma_start3A_23] : memref<8192x128xf32, #tpu.memory_space<hbm>> -> memref<8192x128xf32, #tpu.memory_space<hbm>>
    tpu.enqueue_indirect_dma source(%dma_start3A_24 : memref<8192x128xf32, #tpu.memory_space<hbm>>) target(%dma_start3A_19 : memref<128x128xf32, #tpu.memory_space<vmem>>) offsets(%dma_start3A_21 : memref<128xi32, #tpu.memory_space<vmem>>) semaphore(%arg7 : memref<!tpu.dma_semaphore, #tpu.memory_space<semaphore_mem>>)
    %dma_wait3A_25 = arith.constant 128 : i32
    %dma_wait3A_26 = arith.constant 0 : i32
    %dma_wait3A_27 = tpu.memref_slice %arg6[%dma_wait3A_25, %dma_wait3A_26] : memref<256x128xf32, #tpu.memory_space<vmem>> -> memref<128x128xf32, #tpu.memory_space<vmem>>
    %dma_wait3A_28 = arith.constant 128 : i32
    %dma_wait3A_29 = tpu.memref_slice %arg5[%dma_wait3A_28] : memref<256xi32, #tpu.memory_space<vmem>> -> memref<128xi32, #tpu.memory_space<vmem>>
    %dma_wait3A_30 = arith.constant 0 : i32
    %dma_wait3A_31 = arith.constant 0 : i32
    %dma_wait3A_32 = tpu.memref_slice %arg2[%dma_wait3A_30, %dma_wait3A_31] : memref<8192x128xf32, #tpu.memory_space<hbm>> -> memref<8192x128xf32, #tpu.memory_space<hbm>>
    tpu.wait_indirect_dma semaphore(%arg7 : memref<!tpu.dma_semaphore, #tpu.memory_space<semaphore_mem>>) src(%dma_wait3A_32 : memref<8192x128xf32, #tpu.memory_space<hbm>>) dst(%dma_wait3A_27 : memref<128x128xf32, #tpu.memory_space<vmem>>)
    "tpu.region"() ({
      %run_scoped3A = tpu.sem_alloc : memref<!tpu.dma_semaphore, #tpu.memory_space<semaphore_mem>>
      %dma_start3A_33 = arith.constant 0 : i32
      %dma_start3A_34 = tpu.memref_slice %arg4[%mul3A_2, %dma_start3A_33] : memref<8192x128xf32, #tpu.memory_space<hbm>> -> memref<256x128xf32, #tpu.memory_space<hbm>>
      %dma_start3A_35 = arith.constant 0 : i32
      %dma_start3A_36 = tpu.memref_slice %arg4[%mul3A_2, %dma_start3A_35] : memref<8192x128xf32, #tpu.memory_space<hbm>> -> memref<256x128xf32, #tpu.memory_space<hbm>>
      tpu.enqueue_dma source(%arg6 : memref<256x128xf32, #tpu.memory_space<vmem>>) target(%dma_start3A_36 : memref<256x128xf32, #tpu.memory_space<hbm>>) target_semaphore(%run_scoped3A : memref<!tpu.dma_semaphore, #tpu.memory_space<semaphore_mem>>)
      %dma_wait3A_37 = arith.constant 0 : i32
      %dma_wait3A_38 = tpu.memref_slice %arg4[%mul3A_2, %dma_wait3A_37] : memref<8192x128xf32, #tpu.memory_space<hbm>> -> memref<256x128xf32, #tpu.memory_space<hbm>>
      %dma_wait3A_39 = arith.constant 0 : i32
      %dma_wait3A_40 = tpu.memref_slice %arg4[%mul3A_2, %dma_wait3A_39] : memref<8192x128xf32, #tpu.memory_space<hbm>> -> memref<256x128xf32, #tpu.memory_space<hbm>>
      tpu.wait_dma2 semaphore(%run_scoped3A : memref<!tpu.dma_semaphore, #tpu.memory_space<semaphore_mem>>) src(%arg6 : memref<256x128xf32, #tpu.memory_space<vmem>>) dst(%dma_wait3A_40 : memref<256x128xf32, #tpu.memory_space<hbm>>)
      tpu.yield
    }) : () -> ()
    return
  }
}

module attributes {stable_mosaic.version = 14 : i64} {
  func.func @_vq_tc_kernel(%arg0: i32, %arg1: memref<1024x32xf32, #tpu.memory_space<vmem>>, %arg2: memref<1024x1xf32, #tpu.memory_space<vmem>>, %arg3: memref<1x8192xf32, #tpu.memory_space<vmem>>, %arg4: memref<8192x32xf32, #tpu.memory_space<vmem>>, %arg5: memref<1024x1xi32, #tpu.memory_space<vmem>>, %arg6: memref<1x1x8192xf32, #tpu.memory_space<vmem>>, %arg7: memref<1x1x1xf32, #tpu.memory_space<vmem>>) attributes {dimension_semantics = [#tpu.dimension_semantics<parallel>], iteration_bounds = array<i64: 8>, scalar_prefetch = 0 : i64, scratch_operands = 0 : i64, tpu.core_type = #tpu.core_type<tc>, window_params = [{transform_indices = @transform_0, window_bounds = array<i64: 1024, 32>}, {transform_indices = @transform_1, window_bounds = array<i64: 1024, 1>}, {pipeline_mode = #tpu.pipeline_mode<synchronous>, transform_indices = @transform_2, window_bounds = array<i64: 1, 8192>}, {pipeline_mode = #tpu.pipeline_mode<synchronous>, transform_indices = @transform_3, window_bounds = array<i64: 8192, 32>}, {transform_indices = @transform_4, window_bounds = array<i64: 1024, 1>}, {transform_indices = @transform_5, window_bounds = array<i64: 1, 1, 8192>}, {transform_indices = @transform_6, window_bounds = array<i64: 1, 1, 1>}]} {
    %get3A = arith.constant 0 : index
    %get3A_0 = arith.constant 0 : index
    %get3A_1 = vector.load %arg1[%get3A, %get3A_0] : memref<1024x32xf32, #tpu.memory_space<vmem>>, vector<1024x32xf32>
    %get3A_2 = arith.constant 0 : index
    %get3A_3 = arith.constant 0 : index
    %get3A_4 = vector.load %arg2[%get3A_2, %get3A_3] : memref<1024x1xf32, #tpu.memory_space<vmem>>, vector<1024x1xf32>
    %get3A_5 = arith.constant 0 : index
    %get3A_6 = arith.constant 0 : index
    %get3A_7 = vector.load %arg3[%get3A_5, %get3A_6] : memref<1x8192xf32, #tpu.memory_space<vmem>>, vector<1x8192xf32>
    %broadcast_in_dim3A = arith.constant 0x7F800000 : f32
    %broadcast_in_dim3A_8 = vector.broadcast %broadcast_in_dim3A : f32 to vector<1024x1xf32>
    %broadcast_in_dim3A_9 = arith.constant 0.000000e+00 : f32
    %broadcast_in_dim3A_10 = vector.broadcast %broadcast_in_dim3A_9 : f32 to vector<1024x1xf32>
    %broadcast_in_dim3A_11 = arith.constant 0 : i32
    %broadcast_in_dim3A_12 = vector.broadcast %broadcast_in_dim3A_11 : i32 to vector<1024x1xi32>
    %iota3A = tpu.iota {dimensions = array<i32: 1>} : vector<1024x2048xi32>
    %convert_element_type3A = arith.truncf %get3A_1 : vector<1024x32xf32> to vector<1024x32xbf16>
    %get3A_13 = arith.constant 0 : index
    %get3A_14 = arith.constant 0 : index
    %get3A_15 = vector.load %arg4[%get3A_13, %get3A_14] : memref<8192x32xf32, #tpu.memory_space<vmem>>, vector<2048x32xf32>
    %convert_element_type3A_16 = arith.truncf %get3A_15 : vector<2048x32xf32> to vector<2048x32xbf16>
    %dot_general3A = arith.constant dense<0.000000e+00> : vector<1024x2048xf32>
    %dot_general3A_17 = tpu.matmul %convert_element_type3A, %convert_element_type3A_16, %dot_general3A {dimension_numbers = #tpu.dot_dimension_numbers<[1], [1], [0], [0], [0, 0, 1, 0], [], []>, transpose_lhs_hint = false} : vector<1024x32xbf16>, vector<2048x32xbf16>, vector<1024x2048xf32> -> vector<1024x2048xf32>
    %slice3A = vector.extract_strided_slice %get3A_7 {offsets = [0, 0], sizes = [1, 2048], strides = [1, 1]} : vector<1x8192xf32> to vector<1x2048xf32>
    %add3A = vector.broadcast %get3A_4 : vector<1024x1xf32> to vector<1024x2048xf32>
    %add3A_18 = vector.broadcast %slice3A : vector<1x2048xf32> to vector<1024x2048xf32>
    %add3A_19 = arith.addf %add3A, %add3A_18 : vector<1024x2048xf32>
    %mul3A = arith.constant 2.000000e+00 : f32
    %mul3A_20 = vector.broadcast %mul3A : f32 to vector<1024x2048xf32>
    %mul3A_21 = arith.mulf %mul3A_20, %dot_general3A_17 : vector<1024x2048xf32>
    %sub3A = arith.subf %add3A_19, %mul3A_21 : vector<1024x2048xf32>
    %reduce_min3A = arith.constant dense<0x7F800000> : vector<1024xf32>
    %reduce_min3A_22 = vector.multi_reduction <minimumf>, %sub3A, %reduce_min3A [1] : vector<1024x2048xf32> to vector<1024xf32>
    %broadcast_in_dim3A_23 = vector.shape_cast %reduce_min3A_22 : vector<1024xf32> to vector<1024x1xf32>
    %eq3A = vector.broadcast %broadcast_in_dim3A_23 : vector<1024x1xf32> to vector<1024x2048xf32>
    %eq3A_24 = arith.cmpf oeq, %sub3A, %eq3A : vector<1024x2048xf32>
    %jit3A = arith.constant 1073741824 : i32
    %broadcast_in_dim3A_25 = vector.broadcast %jit3A : i32 to vector<1024x2048xi32>
    %select_n3A = arith.select %eq3A_24, %iota3A, %broadcast_in_dim3A_25 : vector<1024x2048xi1>, vector<1024x2048xi32>
    %reduce_min3A_26 = arith.constant dense<2147483647> : vector<1024xi32>
    %reduce_min3A_27 = vector.multi_reduction <minsi>, %select_n3A, %reduce_min3A_26 [1] : vector<1024x2048xi32> to vector<1024xi32>
    %broadcast_in_dim3A_28 = vector.shape_cast %reduce_min3A_27 : vector<1024xi32> to vector<1024x1xi32>
    %add3A_29 = arith.constant 0 : i32
    %add3A_30 = vector.broadcast %add3A_29 : i32 to vector<1024x1xi32>
    %add3A_31 = arith.addi %broadcast_in_dim3A_28, %add3A_30 : vector<1024x1xi32>
    %lt3A = arith.cmpf olt, %broadcast_in_dim3A_23, %broadcast_in_dim3A_8 : vector<1024x1xf32>
    %select_n3A_32 = arith.select %lt3A, %add3A_31, %broadcast_in_dim3A_12 : vector<1024x1xi1>, vector<1024x1xi32>
    %select_n3A_33 = arith.select %lt3A, %broadcast_in_dim3A_23, %broadcast_in_dim3A_10 : vector<1024x1xi1>, vector<1024x1xf32>
    %convert_element_type3A_34 = arith.truncf %broadcast_in_dim3A_23 : vector<1024x1xf32> to vector<1024x1xbf16>
    %convert_element_type3A_35 = arith.extf %convert_element_type3A_34 : vector<1024x1xbf16> to vector<1024x1xf32>
    %select_n3A_36 = arith.select %lt3A, %convert_element_type3A_35, %broadcast_in_dim3A_8 : vector<1024x1xi1>, vector<1024x1xf32>
    %get3A_37 = arith.constant 2048 : index
    %get3A_38 = arith.constant 0 : index
    %get3A_39 = vector.load %arg4[%get3A_37, %get3A_38] : memref<8192x32xf32, #tpu.memory_space<vmem>>, vector<2048x32xf32>
    %convert_element_type3A_40 = arith.truncf %get3A_39 : vector<2048x32xf32> to vector<2048x32xbf16>
    %dot_general3A_41 = arith.constant dense<0.000000e+00> : vector<1024x2048xf32>
    %dot_general3A_42 = tpu.matmul %convert_element_type3A, %convert_element_type3A_40, %dot_general3A_41 {dimension_numbers = #tpu.dot_dimension_numbers<[1], [1], [0], [0], [0, 0, 1, 0], [], []>, transpose_lhs_hint = false} : vector<1024x32xbf16>, vector<2048x32xbf16>, vector<1024x2048xf32> -> vector<1024x2048xf32>
    %slice3A_43 = vector.extract_strided_slice %get3A_7 {offsets = [0, 2048], sizes = [1, 2048], strides = [1, 1]} : vector<1x8192xf32> to vector<1x2048xf32>
    %add3A_44 = vector.broadcast %get3A_4 : vector<1024x1xf32> to vector<1024x2048xf32>
    %add3A_45 = vector.broadcast %slice3A_43 : vector<1x2048xf32> to vector<1024x2048xf32>
    %add3A_46 = arith.addf %add3A_44, %add3A_45 : vector<1024x2048xf32>
    %mul3A_47 = arith.constant 2.000000e+00 : f32
    %mul3A_48 = vector.broadcast %mul3A_47 : f32 to vector<1024x2048xf32>
    %mul3A_49 = arith.mulf %mul3A_48, %dot_general3A_42 : vector<1024x2048xf32>
    %sub3A_50 = arith.subf %add3A_46, %mul3A_49 : vector<1024x2048xf32>
    %reduce_min3A_51 = arith.constant dense<0x7F800000> : vector<1024xf32>
    %reduce_min3A_52 = vector.multi_reduction <minimumf>, %sub3A_50, %reduce_min3A_51 [1] : vector<1024x2048xf32> to vector<1024xf32>
    %broadcast_in_dim3A_53 = vector.shape_cast %reduce_min3A_52 : vector<1024xf32> to vector<1024x1xf32>
    %eq3A_54 = vector.broadcast %broadcast_in_dim3A_53 : vector<1024x1xf32> to vector<1024x2048xf32>
    %eq3A_55 = arith.cmpf oeq, %sub3A_50, %eq3A_54 : vector<1024x2048xf32>
    %jit3A_56 = arith.constant 1073741824 : i32
    %broadcast_in_dim3A_57 = vector.broadcast %jit3A_56 : i32 to vector<1024x2048xi32>
    %select_n3A_58 = arith.select %eq3A_55, %iota3A, %broadcast_in_dim3A_57 : vector<1024x2048xi1>, vector<1024x2048xi32>
    %reduce_min3A_59 = arith.constant dense<2147483647> : vector<1024xi32>
    %reduce_min3A_60 = vector.multi_reduction <minsi>, %select_n3A_58, %reduce_min3A_59 [1] : vector<1024x2048xi32> to vector<1024xi32>
    %broadcast_in_dim3A_61 = vector.shape_cast %reduce_min3A_60 : vector<1024xi32> to vector<1024x1xi32>
    %add3A_62 = arith.constant 2048 : i32
    %add3A_63 = vector.broadcast %add3A_62 : i32 to vector<1024x1xi32>
    %add3A_64 = arith.addi %broadcast_in_dim3A_61, %add3A_63 : vector<1024x1xi32>
    %lt3A_65 = arith.cmpf olt, %broadcast_in_dim3A_53, %select_n3A_36 : vector<1024x1xf32>
    %select_n3A_66 = arith.select %lt3A_65, %add3A_64, %select_n3A_32 : vector<1024x1xi1>, vector<1024x1xi32>
    %select_n3A_67 = arith.select %lt3A_65, %broadcast_in_dim3A_53, %select_n3A_33 : vector<1024x1xi1>, vector<1024x1xf32>
    %convert_element_type3A_68 = arith.truncf %broadcast_in_dim3A_53 : vector<1024x1xf32> to vector<1024x1xbf16>
    %convert_element_type3A_69 = arith.extf %convert_element_type3A_68 : vector<1024x1xbf16> to vector<1024x1xf32>
    %select_n3A_70 = arith.select %lt3A_65, %convert_element_type3A_69, %select_n3A_36 : vector<1024x1xi1>, vector<1024x1xf32>
    %get3A_71 = arith.constant 4096 : index
    %get3A_72 = arith.constant 0 : index
    %get3A_73 = vector.load %arg4[%get3A_71, %get3A_72] : memref<8192x32xf32, #tpu.memory_space<vmem>>, vector<2048x32xf32>
    %convert_element_type3A_74 = arith.truncf %get3A_73 : vector<2048x32xf32> to vector<2048x32xbf16>
    %dot_general3A_75 = arith.constant dense<0.000000e+00> : vector<1024x2048xf32>
    %dot_general3A_76 = tpu.matmul %convert_element_type3A, %convert_element_type3A_74, %dot_general3A_75 {dimension_numbers = #tpu.dot_dimension_numbers<[1], [1], [0], [0], [0, 0, 1, 0], [], []>, transpose_lhs_hint = false} : vector<1024x32xbf16>, vector<2048x32xbf16>, vector<1024x2048xf32> -> vector<1024x2048xf32>
    %slice3A_77 = vector.extract_strided_slice %get3A_7 {offsets = [0, 4096], sizes = [1, 2048], strides = [1, 1]} : vector<1x8192xf32> to vector<1x2048xf32>
    %add3A_78 = vector.broadcast %get3A_4 : vector<1024x1xf32> to vector<1024x2048xf32>
    %add3A_79 = vector.broadcast %slice3A_77 : vector<1x2048xf32> to vector<1024x2048xf32>
    %add3A_80 = arith.addf %add3A_78, %add3A_79 : vector<1024x2048xf32>
    %mul3A_81 = arith.constant 2.000000e+00 : f32
    %mul3A_82 = vector.broadcast %mul3A_81 : f32 to vector<1024x2048xf32>
    %mul3A_83 = arith.mulf %mul3A_82, %dot_general3A_76 : vector<1024x2048xf32>
    %sub3A_84 = arith.subf %add3A_80, %mul3A_83 : vector<1024x2048xf32>
    %reduce_min3A_85 = arith.constant dense<0x7F800000> : vector<1024xf32>
    %reduce_min3A_86 = vector.multi_reduction <minimumf>, %sub3A_84, %reduce_min3A_85 [1] : vector<1024x2048xf32> to vector<1024xf32>
    %broadcast_in_dim3A_87 = vector.shape_cast %reduce_min3A_86 : vector<1024xf32> to vector<1024x1xf32>
    %eq3A_88 = vector.broadcast %broadcast_in_dim3A_87 : vector<1024x1xf32> to vector<1024x2048xf32>
    %eq3A_89 = arith.cmpf oeq, %sub3A_84, %eq3A_88 : vector<1024x2048xf32>
    %jit3A_90 = arith.constant 1073741824 : i32
    %broadcast_in_dim3A_91 = vector.broadcast %jit3A_90 : i32 to vector<1024x2048xi32>
    %select_n3A_92 = arith.select %eq3A_89, %iota3A, %broadcast_in_dim3A_91 : vector<1024x2048xi1>, vector<1024x2048xi32>
    %reduce_min3A_93 = arith.constant dense<2147483647> : vector<1024xi32>
    %reduce_min3A_94 = vector.multi_reduction <minsi>, %select_n3A_92, %reduce_min3A_93 [1] : vector<1024x2048xi32> to vector<1024xi32>
    %broadcast_in_dim3A_95 = vector.shape_cast %reduce_min3A_94 : vector<1024xi32> to vector<1024x1xi32>
    %add3A_96 = arith.constant 4096 : i32
    %add3A_97 = vector.broadcast %add3A_96 : i32 to vector<1024x1xi32>
    %add3A_98 = arith.addi %broadcast_in_dim3A_95, %add3A_97 : vector<1024x1xi32>
    %lt3A_99 = arith.cmpf olt, %broadcast_in_dim3A_87, %select_n3A_70 : vector<1024x1xf32>
    %select_n3A_100 = arith.select %lt3A_99, %add3A_98, %select_n3A_66 : vector<1024x1xi1>, vector<1024x1xi32>
    %select_n3A_101 = arith.select %lt3A_99, %broadcast_in_dim3A_87, %select_n3A_67 : vector<1024x1xi1>, vector<1024x1xf32>
    %convert_element_type3A_102 = arith.truncf %broadcast_in_dim3A_87 : vector<1024x1xf32> to vector<1024x1xbf16>
    %convert_element_type3A_103 = arith.extf %convert_element_type3A_102 : vector<1024x1xbf16> to vector<1024x1xf32>
    %select_n3A_104 = arith.select %lt3A_99, %convert_element_type3A_103, %select_n3A_70 : vector<1024x1xi1>, vector<1024x1xf32>
    %get3A_105 = arith.constant 6144 : index
    %get3A_106 = arith.constant 0 : index
    %get3A_107 = vector.load %arg4[%get3A_105, %get3A_106] : memref<8192x32xf32, #tpu.memory_space<vmem>>, vector<2048x32xf32>
    %convert_element_type3A_108 = arith.truncf %get3A_107 : vector<2048x32xf32> to vector<2048x32xbf16>
    %dot_general3A_109 = arith.constant dense<0.000000e+00> : vector<1024x2048xf32>
    %dot_general3A_110 = tpu.matmul %convert_element_type3A, %convert_element_type3A_108, %dot_general3A_109 {dimension_numbers = #tpu.dot_dimension_numbers<[1], [1], [0], [0], [0, 0, 1, 0], [], []>, transpose_lhs_hint = false} : vector<1024x32xbf16>, vector<2048x32xbf16>, vector<1024x2048xf32> -> vector<1024x2048xf32>
    %slice3A_111 = vector.extract_strided_slice %get3A_7 {offsets = [0, 6144], sizes = [1, 2048], strides = [1, 1]} : vector<1x8192xf32> to vector<1x2048xf32>
    %add3A_112 = vector.broadcast %get3A_4 : vector<1024x1xf32> to vector<1024x2048xf32>
    %add3A_113 = vector.broadcast %slice3A_111 : vector<1x2048xf32> to vector<1024x2048xf32>
    %add3A_114 = arith.addf %add3A_112, %add3A_113 : vector<1024x2048xf32>
    %mul3A_115 = arith.constant 2.000000e+00 : f32
    %mul3A_116 = vector.broadcast %mul3A_115 : f32 to vector<1024x2048xf32>
    %mul3A_117 = arith.mulf %mul3A_116, %dot_general3A_110 : vector<1024x2048xf32>
    %sub3A_118 = arith.subf %add3A_114, %mul3A_117 : vector<1024x2048xf32>
    %reduce_min3A_119 = arith.constant dense<0x7F800000> : vector<1024xf32>
    %reduce_min3A_120 = vector.multi_reduction <minimumf>, %sub3A_118, %reduce_min3A_119 [1] : vector<1024x2048xf32> to vector<1024xf32>
    %broadcast_in_dim3A_121 = vector.shape_cast %reduce_min3A_120 : vector<1024xf32> to vector<1024x1xf32>
    %eq3A_122 = vector.broadcast %broadcast_in_dim3A_121 : vector<1024x1xf32> to vector<1024x2048xf32>
    %eq3A_123 = arith.cmpf oeq, %sub3A_118, %eq3A_122 : vector<1024x2048xf32>
    %jit3A_124 = arith.constant 1073741824 : i32
    %broadcast_in_dim3A_125 = vector.broadcast %jit3A_124 : i32 to vector<1024x2048xi32>
    %select_n3A_126 = arith.select %eq3A_123, %iota3A, %broadcast_in_dim3A_125 : vector<1024x2048xi1>, vector<1024x2048xi32>
    %reduce_min3A_127 = arith.constant dense<2147483647> : vector<1024xi32>
    %reduce_min3A_128 = vector.multi_reduction <minsi>, %select_n3A_126, %reduce_min3A_127 [1] : vector<1024x2048xi32> to vector<1024xi32>
    %broadcast_in_dim3A_129 = vector.shape_cast %reduce_min3A_128 : vector<1024xi32> to vector<1024x1xi32>
    %add3A_130 = arith.constant 6144 : i32
    %add3A_131 = vector.broadcast %add3A_130 : i32 to vector<1024x1xi32>
    %add3A_132 = arith.addi %broadcast_in_dim3A_129, %add3A_131 : vector<1024x1xi32>
    %lt3A_133 = arith.cmpf olt, %broadcast_in_dim3A_121, %select_n3A_104 : vector<1024x1xf32>
    %select_n3A_134 = arith.select %lt3A_133, %add3A_132, %select_n3A_100 : vector<1024x1xi1>, vector<1024x1xi32>
    %select_n3A_135 = arith.select %lt3A_133, %broadcast_in_dim3A_121, %select_n3A_101 : vector<1024x1xi1>, vector<1024x1xf32>
    %swap3A = arith.constant 0 : index
    %swap3A_136 = arith.constant 0 : index
    %swap3A_137 = vector.load %arg5[%swap3A, %swap3A_136] : memref<1024x1xi32, #tpu.memory_space<vmem>>, vector<1024x1xi32>
    tpu.vector_store %arg5[%swap3A, %swap3A_136], %select_n3A_134 {strides = array<i32>} : memref<1024x1xi32, #tpu.memory_space<vmem>>, vector<1024x1xi32>,
    %add3A_138 = arith.constant 0 : i32
    %add3A_139 = vector.broadcast %add3A_138 : i32 to vector<1024x2048xi32>
    %add3A_140 = arith.addi %iota3A, %add3A_139 : vector<1024x2048xi32>
    %eq3A_141 = vector.broadcast %select_n3A_134 : vector<1024x1xi32> to vector<1024x2048xi32>
    %eq3A_142 = arith.cmpi eq, %eq3A_141, %add3A_140 : vector<1024x2048xi32>
    %convert_element_type3A_143 = arith.extui %eq3A_142 : vector<1024x2048xi1> to vector<1024x2048xi32>
    %convert_element_type3A_144 = arith.sitofp %convert_element_type3A_143 : vector<1024x2048xi32> to vector<1024x2048xf32>
    %reduce_sum3A = arith.constant dense<0.000000e+00> : vector<2048xf32>
    %reduce_sum3A_145 = vector.multi_reduction <add>, %convert_element_type3A_144, %reduce_sum3A [0] : vector<1024x2048xf32> to vector<2048xf32>
    %broadcast_in_dim3A_146 = vector.shape_cast %reduce_sum3A_145 : vector<2048xf32> to vector<1x2048xf32>
    %add3A_147 = arith.constant 2048 : i32
    %add3A_148 = vector.broadcast %add3A_147 : i32 to vector<1024x2048xi32>
    %add3A_149 = arith.addi %iota3A, %add3A_148 : vector<1024x2048xi32>
    %eq3A_150 = vector.broadcast %select_n3A_134 : vector<1024x1xi32> to vector<1024x2048xi32>
    %eq3A_151 = arith.cmpi eq, %eq3A_150, %add3A_149 : vector<1024x2048xi32>
    %convert_element_type3A_152 = arith.extui %eq3A_151 : vector<1024x2048xi1> to vector<1024x2048xi32>
    %convert_element_type3A_153 = arith.sitofp %convert_element_type3A_152 : vector<1024x2048xi32> to vector<1024x2048xf32>
    %reduce_sum3A_154 = arith.constant dense<0.000000e+00> : vector<2048xf32>
    %reduce_sum3A_155 = vector.multi_reduction <add>, %convert_element_type3A_153, %reduce_sum3A_154 [0] : vector<1024x2048xf32> to vector<2048xf32>
    %broadcast_in_dim3A_156 = vector.shape_cast %reduce_sum3A_155 : vector<2048xf32> to vector<1x2048xf32>
    %add3A_157 = arith.constant 4096 : i32
    %add3A_158 = vector.broadcast %add3A_157 : i32 to vector<1024x2048xi32>
    %add3A_159 = arith.addi %iota3A, %add3A_158 : vector<1024x2048xi32>
    %eq3A_160 = vector.broadcast %select_n3A_134 : vector<1024x1xi32> to vector<1024x2048xi32>
    %eq3A_161 = arith.cmpi eq, %eq3A_160, %add3A_159 : vector<1024x2048xi32>
    %convert_element_type3A_162 = arith.extui %eq3A_161 : vector<1024x2048xi1> to vector<1024x2048xi32>
    %convert_element_type3A_163 = arith.sitofp %convert_element_type3A_162 : vector<1024x2048xi32> to vector<1024x2048xf32>
    %reduce_sum3A_164 = arith.constant dense<0.000000e+00> : vector<2048xf32>
    %reduce_sum3A_165 = vector.multi_reduction <add>, %convert_element_type3A_163, %reduce_sum3A_164 [0] : vector<1024x2048xf32> to vector<2048xf32>
    %broadcast_in_dim3A_166 = vector.shape_cast %reduce_sum3A_165 : vector<2048xf32> to vector<1x2048xf32>
    %add3A_167 = arith.constant 6144 : i32
    %add3A_168 = vector.broadcast %add3A_167 : i32 to vector<1024x2048xi32>
    %add3A_169 = arith.addi %iota3A, %add3A_168 : vector<1024x2048xi32>
    %eq3A_170 = vector.broadcast %select_n3A_134 : vector<1024x1xi32> to vector<1024x2048xi32>
    %eq3A_171 = arith.cmpi eq, %eq3A_170, %add3A_169 : vector<1024x2048xi32>
    %convert_element_type3A_172 = arith.extui %eq3A_171 : vector<1024x2048xi1> to vector<1024x2048xi32>
    %convert_element_type3A_173 = arith.sitofp %convert_element_type3A_172 : vector<1024x2048xi32> to vector<1024x2048xf32>
    %reduce_sum3A_174 = arith.constant dense<0.000000e+00> : vector<2048xf32>
    %reduce_sum3A_175 = vector.multi_reduction <add>, %convert_element_type3A_173, %reduce_sum3A_174 [0] : vector<1024x2048xf32> to vector<2048xf32>
    %broadcast_in_dim3A_176 = vector.shape_cast %reduce_sum3A_175 : vector<2048xf32> to vector<1x2048xf32>
    %concatenate3A = tpu.concatenate %broadcast_in_dim3A_146, %broadcast_in_dim3A_156, %broadcast_in_dim3A_166, %broadcast_in_dim3A_176 in 1 : vector<1x2048xf32>, vector<1x2048xf32>, vector<1x2048xf32>, vector<1x2048xf32> -> vector<1x8192xf32>
    %broadcast_in_dim3A_177 = vector.shape_cast %concatenate3A : vector<1x8192xf32> to vector<1x1x8192xf32>
    %swap3A_178 = arith.constant 0 : index
    %swap3A_179 = arith.constant 0 : index
    %swap3A_180 = arith.constant 0 : index
    %swap3A_181 = vector.load %arg6[%swap3A_178, %swap3A_179, %swap3A_180] : memref<1x1x8192xf32, #tpu.memory_space<vmem>>, vector<1x1x8192xf32>
    tpu.vector_store %arg6[%swap3A_178, %swap3A_179, %swap3A_180], %broadcast_in_dim3A_177 {strides = array<i32>} : memref<1x1x8192xf32, #tpu.memory_space<vmem>>, vector<1x1x8192xf32>,
    %max3A = arith.constant 0.000000e+00 : f32
    %max3A_182 = vector.broadcast %max3A : f32 to vector<1024x1xf32>
    %max3A_183 = arith.maximumf %select_n3A_135, %max3A_182 : vector<1024x1xf32>
    %reduce_sum3A_184 = vector.shape_cast %max3A_183 : vector<1024x1xf32> to vector<1x1024x1xf32>
    %reduce_sum3A_185 = arith.constant dense<0.000000e+00> : vector<1xf32>
    %reduce_sum3A_186 = vector.multi_reduction <add>, %reduce_sum3A_184, %reduce_sum3A_185 [1, 2] : vector<1x1024x1xf32> to vector<1xf32>
    %reduce_sum3A_187 = vector.shape_cast %reduce_sum3A_186 : vector<1xf32> to vector<1x1x1xf32>
    %reduce_sum3A_188 = vector.extract %reduce_sum3A_187[0, 0, 0] : f32 from vector<1x1x1xf32>
    %reshape3A = vector.broadcast %reduce_sum3A_188 : f32 to vector<1x1x1xf32>
    %swap3A_189 = arith.constant 0 : index
    %swap3A_190 = arith.constant 0 : index
    %swap3A_191 = arith.constant 0 : index
    %swap3A_192 = vector.load %arg7[%swap3A_189, %swap3A_190, %swap3A_191] : memref<1x1x1xf32, #tpu.memory_space<vmem>>, vector<1x1x1xf32>
    tpu.vector_store %arg7[%swap3A_189, %swap3A_190, %swap3A_191], %reshape3A {strides = array<i32>} : memref<1x1x1xf32, #tpu.memory_space<vmem>>, vector<1x1x1xf32>,
    return
  }
  func.func @transform_0(%arg0: i32) -> (i32, i32) {
    %c0_i32 = arith.constant 0 : i32
    %c0_i32_0 = arith.constant 0 : i32
    return %arg0, %c0_i32 : i32, i32
  }
  func.func @transform_1(%arg0: i32) -> (i32, i32) {
    %c0_i32 = arith.constant 0 : i32
    %c0_i32_0 = arith.constant 0 : i32
    return %arg0, %c0_i32 : i32, i32
  }
  func.func @transform_2(%arg0: i32) -> (i32, i32) {
    %c0_i32 = arith.constant 0 : i32
    %c0_i32_0 = arith.constant 0 : i32
    %c0_i32_1 = arith.constant 0 : i32
    return %c0_i32, %c0_i32_0 : i32, i32
  }
  func.func @transform_3(%arg0: i32) -> (i32, i32) {
    %c0_i32 = arith.constant 0 : i32
    %c0_i32_0 = arith.constant 0 : i32
    %c0_i32_1 = arith.constant 0 : i32
    return %c0_i32, %c0_i32_0 : i32, i32
  }
  func.func @transform_4(%arg0: i32) -> (i32, i32) {
    %c0_i32 = arith.constant 0 : i32
    %c0_i32_0 = arith.constant 0 : i32
    return %arg0, %c0_i32 : i32, i32
  }
  func.func @transform_5(%arg0: i32) -> (i32, i32, i32) {
    %c0_i32 = arith.constant 0 : i32
    %c0_i32_0 = arith.constant 0 : i32
    %c0_i32_1 = arith.constant 0 : i32
    return %arg0, %c0_i32, %c0_i32_0 : i32, i32, i32
  }
  func.func @transform_6(%arg0: i32) -> (i32, i32, i32) {
    %c0_i32 = arith.constant 0 : i32
    %c0_i32_0 = arith.constant 0 : i32
    %c0_i32_1 = arith.constant 0 : i32
    return %arg0, %c0_i32, %c0_i32_0 : i32, i32, i32
  }
}

module attributes {stable_mosaic.version = 14 : i64} {
  func.func @_vq_finish_kernel(%arg0: memref<8x1x8192xf32, #tpu.memory_space<vmem>>, %arg1: memref<8x1x1xf32, #tpu.memory_space<vmem>>, %arg2: memref<1x1xf32, #tpu.memory_space<vmem>>, %arg3: memref<1x1xf32, #tpu.memory_space<vmem>>) attributes {dimension_semantics = [], scalar_prefetch = 0 : i64, scratch_operands = 0 : i64, tpu.core_type = #tpu.core_type<tc>} {
    %get3A = arith.constant 0 : index
    %get3A_0 = arith.constant 0 : index
    %get3A_1 = arith.constant 0 : index
    %get3A_2 = vector.load %arg0[%get3A, %get3A_0, %get3A_1] : memref<8x1x8192xf32, #tpu.memory_space<vmem>>, vector<8x1x8192xf32>
    %reduce_sum3A = arith.constant dense<0.000000e+00> : vector<1x8192xf32>
    %reduce_sum3A_3 = vector.multi_reduction <add>, %get3A_2, %reduce_sum3A [0] : vector<8x1x8192xf32> to vector<1x8192xf32>
    %get3A_4 = arith.constant 0 : index
    %get3A_5 = arith.constant 0 : index
    %get3A_6 = arith.constant 0 : index
    %get3A_7 = vector.load %arg1[%get3A_4, %get3A_5, %get3A_6] : memref<8x1x1xf32, #tpu.memory_space<vmem>>, vector<8x1x1xf32>
    %reduce_sum3A_8 = vector.shape_cast %get3A_7 : vector<8x1x1xf32> to vector<1x8x1x1xf32>
    %reduce_sum3A_9 = arith.constant dense<0.000000e+00> : vector<1xf32>
    %reduce_sum3A_10 = vector.multi_reduction <add>, %reduce_sum3A_8, %reduce_sum3A_9 [1, 2, 3] : vector<1x8x1x1xf32> to vector<1xf32>
    %reduce_sum3A_11 = vector.shape_cast %reduce_sum3A_10 : vector<1xf32> to vector<1x1x1x1xf32>
    %reduce_sum3A_12 = vector.extract %reduce_sum3A_11[0, 0, 0, 0] : f32 from vector<1x1x1x1xf32>
    %mul3A = arith.constant 8.192000e+03 : f32
    %mul3A_13 = arith.constant 3.200000e+01 : f32
    %mul3A_14 = arith.mulf %mul3A, %mul3A_13 : f32
    %div3A = arith.divf %reduce_sum3A_12, %mul3A_14 : f32
    %mul3A_15 = arith.constant 2.500000e-01 : f32
    %mul3A_16 = arith.mulf %mul3A_15, %div3A : f32
    %add3A = arith.addf %div3A, %mul3A_16 : f32
    %reshape3A = vector.broadcast %add3A : f32 to vector<1x1xf32>
    %swap3A = arith.constant 0 : index
    %swap3A_17 = arith.constant 0 : index
    %swap3A_18 = vector.load %arg2[%swap3A, %swap3A_17] : memref<1x1xf32, #tpu.memory_space<vmem>>, vector<1x1xf32>
    tpu.vector_store %arg2[%swap3A, %swap3A_17], %reshape3A {strides = array<i32>} : memref<1x1xf32, #tpu.memory_space<vmem>>, vector<1x1xf32>,
    %div3A_19 = arith.constant 8.192000e+03 : f32
    %div3A_20 = vector.broadcast %div3A_19 : f32 to vector<1x8192xf32>
    %div3A_21 = arith.divf %reduce_sum3A_3, %div3A_20 : vector<1x8192xf32>
    %add3A_22 = arith.constant 1.000000e-10 : f32
    %add3A_23 = vector.broadcast %add3A_22 : f32 to vector<1x8192xf32>
    %add3A_24 = arith.addf %div3A_21, %add3A_23 : vector<1x8192xf32>
    %log3A = math.log %add3A_24 : vector<1x8192xf32>
    %mul3A_25 = arith.mulf %div3A_21, %log3A : vector<1x8192xf32>
    %reduce_sum3A_26 = vector.shape_cast %mul3A_25 : vector<1x8192xf32> to vector<1x1x8192xf32>
    %reduce_sum3A_27 = arith.constant dense<0.000000e+00> : vector<1xf32>
    %reduce_sum3A_28 = vector.multi_reduction <add>, %reduce_sum3A_26, %reduce_sum3A_27 [1, 2] : vector<1x1x8192xf32> to vector<1xf32>
    %reduce_sum3A_29 = vector.shape_cast %reduce_sum3A_28 : vector<1xf32> to vector<1x1x1xf32>
    %reduce_sum3A_30 = vector.extract %reduce_sum3A_29[0, 0, 0] : f32 from vector<1x1x1xf32>
    %neg3A = arith.constant 0.000000e+00 : f32
    %neg3A_31 = arith.subf %neg3A, %reduce_sum3A_30 : f32
    %exp3A = math.exp %neg3A_31 : f32
    %reshape3A_32 = vector.broadcast %exp3A : f32 to vector<1x1xf32>
    %swap3A_33 = arith.constant 0 : index
    %swap3A_34 = arith.constant 0 : index
    %swap3A_35 = vector.load %arg3[%swap3A_33, %swap3A_34] : memref<1x1xf32, #tpu.memory_space<vmem>>, vector<1x1xf32>
    tpu.vector_store %arg3[%swap3A_33, %swap3A_34], %reshape3A_32 {strides = array<i32>} : memref<1x1xf32, #tpu.memory_space<vmem>>, vector<1x1xf32>,
    return
  }
}

</mosaic_0001>

<sc_bundles>
// kernel: kernel.5.cloned.1.call-start
scs
__scs_entry_jumppad:
0x0: {  	(pc) =	sbr.rel $0x88, $3  }
0x1: {  	(tag) =	ssettag $0x0;
	lr =	simm.s32 $0x1  }
0x2: {  	[smem:$0x3F9F] =	sst lr;
	_ =	strace $0xD0000000  }
0x3: {  	_ = 	snop  }
0x4: {  	_ = 	snop  }
0x5: {  	_ = 	snop  }
0x6: {  	_ = 	snop  }
0x7: {  	_ = 	snop  }
__scs_overlays_trampoline_lowered:
0x8: {  	[smem:$0x3FAE] =	sst s0  }
0x9: {  	[smem:$0x3FAF] =	sst s1  }
0xa: {  	[smem:$0x3FB0] =	sst s2  }
0xb: {  	[smem:$0x3FB1] =	sst s3  }
0xc: {  	[smem:$0x3FB2] =	sst s4  }
0xd: {  	[smem:$0x3FB3] =	sst s5  }
0xe: {  	[smem:$0x3FB4] =	sst s6  }
0xf: {  	[smem:$0x3FB5] =	sst s7  }
0x10: {  	[smem:$0x3FB6] =	sst s8  }
0x11: {  	[smem:$0x3FB7] =	sst s9;
	s0 =	simm.s32 @!p0 $0x0  }
0x12: {  	s1 =	sld [smem:$0x3F9D];
	s0 =	simm.s32 @p0 $0x1  }
0x13: {  	[smem:$0x3FB8] =	sst s0;
	s0 =	simm.s32 @!p1 $0x0  }
0x14: {  	s2 =	sld [smem:$0x3F9C];
	s0 =	simm.s32 @p1 $0x1  }
0x15: {  	[smem:$0x3FB9] =	sst s0;
	s0 =	simm.s32 @!p2 $0x0  }
0x16: {  	s3 =	sld [smem:$0x3FDB];
	s0 =	simm.s32 @p2 $0x1  }
0x17: {  	s4 =	simm.s32 $0x1BF5;
	[smem:$0x3FBB] =	sst s0  }
0x18: {  	s0 =	sld [smem:$0x3F9E];
	_ =	swait.ge [sflag:s4], $0x0  }
0x19: {  	s7 =	sld [smem:$0x3F9F]  }
0x1a: {  	s8 =	sadd.s32 $0xFFFFE003, lr  }
0x1b: {  	s9 =	sadd.s32 $0xFFFFFEF7, lr;
	s5 =	simm.s32 $0xFFFFFFFF;
	p2 =	slt.u32 s8, $0xFFFFF086  }
0x1c: {  	p1 =	slt.u32 s9, $0xF7A;
	s5 =	simm.s32 @!p2 $0x0  }
0x1d: {  	s5 =	simm.s32 @p1 $0x1;
	p0 =	seq.s32 s7, s2  }
0x1e: {  	s7 =	smul.u32 @!p0 $0xF7A, s2;
	p2 =	seq.s32 @!p0 s5, $0x0  }
0x1f: {  	s9 =	smul.u32 $0xF7A, s1;
	s8 =	simm.s32 @!p0 $0x1BF5;
	p2 =	por !p2, p0  }
0x20: {  	[sflag:s8] =	ssyncset.s32 @!p0 $0xFFFFF086;
	s6 =	sadd.s32 @!p0 s3, s7;
	s7 =	simm.s32 @!p0 $0x108  }
0x21: {  	s3 =	sadd.s32 s3, s9;
	s6 =	sadd.s32 @!p0 $0x88, s6;
	s7 =	simm.s32 @p2 $0x1082  }
0x22: {  	[simem:s7], [sflag:s8] =	dma.local @!p0 [hbm:s6], $0xF7A  }
0x23: {  	s9 =	sor.u32 $0xD0000000, s2;
	s6 =	simm.s32 $0x108;
	_ =	swait.ge @!p0 [sflag:s8], $0x0  }
0x24: {  	s3 =	sadd.s32 $0x88, s3;
	s6 =	simm.s32 @!p1 $0x1082;
	[sflag:s4] =	ssyncset.s32 $0xFFFFF086  }
0x25: {  	[simem:s6], [sflag:s4] =	dma.local [hbm:s3], $0xF7A  }
0x26: {  	[smem:$0x3F9F] =	sst s1;
	(tag) =	ssettag s2;
	_ =	strace s9  }
0x27: {  	s1 =	sld [smem:$0x3FAF]  }
0x28: {  	s2 =	sld [smem:$0x3FB0]  }
0x29: {  	s4 =	sld [smem:$0x3FB2]  }
0x2a: {  	p0 =	seq.s32 s5, $0x0;
	s5 =	sld [smem:$0x3FB3]  }
0x2b: {  	s6 =	sld [smem:$0x3FB4]  }
0x2c: {  	s7 =	sld [smem:$0x3FB5]  }
0x2d: {  	s3 =	simm.s32 $0x108;
	s8 =	sld [smem:$0x3FB6]  }
0x2e: {  	s3 =	simm.s32 @!p0 $0x1082;
	s9 =	sld [smem:$0x3FB7]  }
0x2f: {  	lr =	sadd.s32 s0, s3;
	s0 =	sld [smem:$0x3FAE]  }
0x30: {  	s3 =	sld [smem:$0x3FB1]  }
0x31: {  	[smem:$0x3FBA] =	sst s10  }
0x32: {  	s10 =	sld [smem:$0x3FB8];
	_ =	sdelay $0x3  }
0x33: {  	p0 =	seq.s32 s10, $0x1;
	s10 =	sld [smem:$0x3FBA];
	_ =	sdelay $0x3  }
0x34: {  	[smem:$0x3FBA] =	sst s10  }
0x35: {  	s10 =	sld [smem:$0x3FB9];
	_ =	sdelay $0x3  }
0x36: {  	p1 =	seq.s32 s10, $0x1;
	s10 =	sld [smem:$0x3FBA];
	_ =	sdelay $0x3  }
0x37: {  	[smem:$0x3FBA] =	sst s10  }
0x38: {  	s10 =	sld [smem:$0x3FBB]  }
0x39: {  	_ = 	snop;
	(pc) =	sbr.ind lr, $3  }
0x3a: {  	_ = 	snop  }
0x3b: {  	_ = 	snop  }
0x3c: {  	p2 =	seq.s32 s10, $0x1;
	s10 =	sld [smem:$0x3FBA]  }
0x3d: {  	_ =	shalt  }
0x3e: {  	_ =	shalt  }
0x3f: {  	_ =	shalt  }
0x40: {  	_ =	shalt  }
0x41: {  	_ =	shalt  }
0x42: {  	_ =	shalt  }
0x43: {  	_ =	shalt  }
0x44: {  	_ =	shalt  }
0x45: {  	_ =	shalt  }
0x46: {  	_ =	shalt  }
0x47: {  	_ =	shalt  }
0x48: {  	_ =	shalt  }
0x49: {  	_ =	shalt  }
0x4a: {  	_ =	shalt  }
0x4b: {  	_ =	shalt  }
0x4c: {  	_ =	shalt  }
0x4d: {  	_ =	shalt  }
0x4e: {  	_ =	shalt  }
0x4f: {  	_ =	shalt  }
0x50: {  	_ =	shalt  }
0x51: {  	_ =	shalt  }
0x52: {  	_ =	shalt  }
0x53: {  	_ =	shalt  }
0x54: {  	_ =	shalt  }
0x55: {  	_ =	shalt  }
0x56: {  	_ =	shalt  }
0x57: {  	_ =	shalt  }
0x58: {  	_ =	shalt  }
0x59: {  	_ =	shalt  }
0x5a: {  	_ =	shalt  }
0x5b: {  	_ =	shalt  }
0x5c: {  	_ =	shalt  }
0x5d: {  	_ =	shalt  }
0x5e: {  	_ =	shalt  }
0x5f: {  	_ =	shalt  }
0x60: {  	_ =	shalt  }
0x61: {  	_ =	shalt  }
0x62: {  	_ =	shalt  }
0x63: {  	_ =	shalt  }
0x64: {  	_ =	shalt  }
0x65: {  	_ =	shalt  }
0x66: {  	_ =	shalt  }
0x67: {  	_ =	shalt  }
0x68: {  	_ =	shalt  }
0x69: {  	_ =	shalt  }
0x6a: {  	_ =	shalt  }
0x6b: {  	_ =	shalt  }
0x6c: {  	_ =	shalt  }
0x6d: {  	_ =	shalt  }
0x6e: {  	_ =	shalt  }
0x6f: {  	_ =	shalt  }
0x70: {  	_ =	shalt  }
0x71: {  	_ =	shalt  }
0x72: {  	_ =	shalt  }
0x73: {  	_ =	shalt  }
0x74: {  	_ =	shalt  }
0x75: {  	_ =	shalt  }
0x76: {  	_ =	shalt  }
0x77: {  	_ =	shalt  }
0x78: {  	_ =	shalt  }
0x79: {  	_ =	shalt  }
0x7a: {  	_ =	shalt  }
0x7b: {  	_ =	shalt  }
0x7c: {  	_ =	shalt  }
0x7d: {  	_ =	shalt  }
0x7e: {  	_ =	shalt  }
0x7f: {  	_ =	shalt  }
0x80: {  	_ =	shalt  }
0x81: {  	_ =	shalt  }
0x82: {  	_ =	shalt  }
0x83: {  	_ =	shalt  }
0x84: {  	_ =	shalt  }
0x85: {  	_ =	shalt  }
0x86: {  	_ =	shalt  }
0x87: {  	_ =	shalt  }
.Lfunc_end0:
.L_simem_size_0:
called_computation_lowered:
.L_overlay_start_0:
0x88: {  	s2 =	sld [smem:$0x3FD9]  }
0x89: {  	s3 =	sld [smem:$0x3FFE];
	_ =	sdelay $0x1  }
0x8a: {  	s1 =	srdreg.scid  }
0x8b: {  	s0 =	sand.u32 $0x1, s1  }
0x8c: {  	s14 =	sshll.u32 s0, $0xA;
	s2 =	sadd.s32 s3, s2  }
0x8d: {  	s2 =	sadd.s32 s2, s14  }
0x8e: {  	[smem:$0x3FC6] =	sst s2  }
0x8f: {  	_ = 	snop  }
0x90: {  	s2 =	sld [smem:$0x3FD0];
	_ =	sdelay $0x2  }
0x91: {  	s15 =	simm.s32 $0xA;
	s4 =	simm.s32 $0x10  }
0x92: {  	[smem:s4], [sflag:s15] =	dma.local [hbm:s2], $0x1  }
0x93: {  	_ =	swait.eq [sflag:s15], $0x1  }
0x94: {  	[sflag:s15] =	ssyncset.done $0x0  }
0x95: {  	[sflag:s15] =	ssyncadd.s32 $0xFFFFFFFF  }
0x96: {  	s16 =	sld [smem:$0x10];
	(tm) =	ssettm $0x1  }
0x97: {  	s17 =	sld [smem:$0x3FFB];
	_ =	sdelay $0x3  }
0x98: {  	_ =	strace s17  }
0x99: {  	s3 =	sld [smem:$0x3FFC];
	_ =	sdelay $0x3  }
0x9a: {  	_ =	strace s3  }
0x9b: {  	s3 =	sld [smem:$0x3FFD];
	_ =	sdelay $0x3  }
0x9c: {  	_ =	strace s3  }
0x9d: {  	_ =	strace $0x8FFFFFFF  }
0x9e: {  	s18 =	sld [smem:$0x3FDB];
	_ =	sdelay $0x1  }
0x9f: {  	s19 =	simm.s32 $_scs_section_size  }
0xa0: {  	s5 =	simm.s32 $_size__tile_overlayer_lowered;
	s6 =	simm.s32 $_tile_overlayer_lowered  }
0xa1: {  	s22 =	simm.s32 $0x1BFF;
	s21 =	sshll.u32 s6, $0x1;
	s3 =	sadd.s32 s19, s18  }
0xa2: {  	s7 =	simm.s32 $0x0;
	s20 =	sshll.u32 s5, $0x1;
	s5 =	sadd.s32 s21, s3  }
0xa3: {  	[timem:s7], [sflag:s22] =	dma.local [hbm:s5], s20  }
0xa4: {  	_ =	swait.ge [sflag:s22], s20  }
0xa5: {  	s4 =	ssub.s32 $0x0, s20;
	[sflag:s22] =	ssyncset.done $0x0  }
0xa6: {  	[sflag:s22] =	ssyncadd.s32 s4;
	_ =	sdelay $0x1  }
0xa7: {  	s23 =	simm.s32 $0x1B8B  }
0xa8: {  	_ =	swait.ge [sflag:s23], $0x1  }
0xa9: {  	[sflag:s23] =	ssyncset.done $0x0  }
0xaa: {  	s25 =	simm.s32 $0x1B8E;
	s24 =	sld [smem:$0x3FFE];
	[sflag:s23] =	ssyncadd.s32 $0xFFFFFFFF  }
0xab: {  	s26 =	simm.s32 $execute0_lowered;
	[smem:$0x3FD2] =	sst s25  }
0xac: {  	s5 =	sshll.u32 s26, $0x1;
	_ =	strace $0x80000046;
	[dreg:$0x1] =	wrdreg $0xFFFFFFFF  }
0xad: {  	s28 =	simm.s32 $_size_execute0_lowered;
	s3 =	sadd.s32 s3, s5;
	[dreg:$0x0] =	wrdreg $0x0  }
0xae: {  	s5 =	sshll.u32 s28, $0x1;
	[dreg:$0x2] =	wrdreg s3  }
0xaf: {  	[dreg:$0x3] =	wrdreg s5  }
0xb0: {  	[dreg:$0x4] =	wrdreg $0xC0  }
0xb1: {  	_ =	task [dreg:s7], $0x5FFFF  }
0xb2: {  	[dreg:$0x1] =	wrdreg $0xFFFFFFFF  }
0xb3: {  	[dreg:$0x0] =	wrdreg $0x60  }
0xb4: {  	[dreg:$0x2] =	wrdreg s24  }
0xb5: {  	[dreg:$0x3] =	wrdreg s16  }
0xb6: {  	[dreg:$0x4] =	wrdreg $0x9  }
0xb7: {  	_ =	task.clear_ibuf [dreg:s7], $0x5FFFF;
	_ =	strace $0x90000046  }
0xb8: {  	s29 =	simm.s32 $0x9;
	_ =	strace $0x80000048  }
0xb9: {  	_ =	swait.ge [sflag:s29], $0x1  }
0xba: {  	[sflag:s29] =	ssyncadd.s32 $0xFFFFFFFF  }
0xbb: {  	_ =	strace $0x90000048  }
0xbc: {  	_ =	sfence  }
0xbd: {  	s30 =	sld [smem:$0x0];
	_ =	sdelay $0x2  }
0xbe: {  	s31 =	sshll.u32 s1, $0xD;
	s1 =	sshrl.u32 s1, $0x2  }
0xbf: {  	s3 =	sand.u32 $0x4000, s31;
	s1 =	sadd.s32 s1, s30  }
0xc0: {  	s0 =	sor.u32 s3, s0;
	s1 =	sshll.u32 s1, $0x11  }
0xc1: {  	s0 =	sor.u32 s1, s0  }
0xc2: {  	s0 =	sadd.s32 $0x8F2B, s0  }
0xc3: {  	[sflag:s0] =	ssyncadd.remote.s32 $0x1  }
0xc4: {  	_ =	sfence.sel $0xFFFF  }
0xc5: {  	[dreg:$0x0] =	wrdreg $0xFFFFFFFF;
	(pc) =	sbr.abs _section_cstart, $3  }
0xc6: {  	[dreg:$0x1] =	wrdreg $0xFFFFFFFF  }
0xc7: {  	_ =	task.clear_ibuf [dreg:s7], $0x2FFFF;
	_ =	strace $0x9FFFFFFF  }
0xc8: {  	(tm) =	ssettm $0x7FFFFFFF  }
0xc9: {  	_ =	shalt  }
tec
execute0_lowered:
.L_overlay_start_1:
0x0: {  	(tag) =	ssettag $0x1  }
0x1: {  	s1 =	srdreg.scid  }
0x2: {  	s2 =	rddreg [dreg:$0x0];
	s0 =	stileid.u32;
	s9 =	sand.u32 $0x1, s1  }
0x3: {  	s4 =	rddreg [dreg:$0x1];
	s5 =	sshll.u32 s0, $0x9;
	s6 =	sshll.u32 s9, $0x8  }
0x4: {  	s3 =	simm.s32 $0x0;
	s1 =	rddreg [dreg:$0x2];
	s10 =	sor.u32 s6, s5  }
0x5: {  	[smem:$0x7FF] =	sst s3;
	s5 =	sshrl.u32 s10, $0x3  }
0x6: {  	_ =	strace $0x80000047;
	s5 =	sadd.s32 s4, s5;
	s4 =	simm.s32 $0x2  }
0x7: {  	[tilespmem:s3], [sflag:$0x2] =	stream.linear.gather [hbm4b:s5+s3], $0x100, $0x38;
	[tilespmem:$0x8100] =	vst v63  }
0x8: {  	_ =	swait.ge [sflag:s4], $0x100  }
0x9: {  	s7 =	simm.s32 $0x100;
	s8 =	simm.s32 $0x1;
	[sflag:s4] =	ssyncset.done $0x0  }
0xa: {  	s11 =	ssub.s32 $0x2, s9;
	s6 =	simm.s32 $0x80;
	[sflag:s4] =	ssyncadd.s32 $0xFFFFFF00  }
0xb: {  	[tilespmem:s7], [sflag:$0x1] =	stream.indirect.gather [hbm4b:s2+s6], $0x80, s3, s6, $0xb8;
	[tilespmem:$0x8100] =	vst v63  }
0xc: {  	s12 =	sshrl.u32 s11, $0x1;
	_ =	swait.ge [sflag:s8], $0x4000  }
0xd: {  	s11 =	ssub.s32 s11, s12;
	[sflag:s8] =	ssyncset.done $0x0  }
0xe: {  	s9 =	simm.s32 $0x4100;
	s11 =	smax.u32 s11, $0x1;
	[sflag:s8] =	ssyncadd.s32 $0xFFFFC000  }
0xf: {  	[tilespmem:s9], [sflag:$0x1] =	stream.indirect.gather [hbm4b:s2+s6], $0x80, s6, s6, $0xb8;
	[tilespmem:$0x8100] =	vst v63  }
0x10: {  	s10 =	sshll.u32 s10, $0x4;
	p0 =	sne.s32 s11, $0x1;
	_ =	swait.ge [sflag:s8], $0x4000  }
.Ltmp0:
0x11: {  	s10 =	sadd.s32 s10, s2;
	[sflag:s8] =	ssyncset.done $0x0;
	(pc) =	sbr.rel @!p0 .LBB2_2-.Ltmp0, $4  }
0x12: {  	s10 =	sadd.s32 $0x20000, s10;
	[sflag:s8] =	ssyncadd.s32 $0xFFFFC000  }
0x13: {  	[hbm4b:s10+s3] =	stream.linear.scatter [tilespmem:s7], [sflag:$0x2], $0x8000, $0x38;
	[tilespmem:$0x8100] =	vst v63  }
0x14: {  	_ =	swait.ge [sflag:s4], $0x8000  }
0x15: {  	s11 =	sadd.s32 $0xFFFFFFFF, s11;
	[sflag:s4] =	ssyncset.done $0x0  }
.LBB2_1:
0x16: {  	p0 =	sne.s32 s11, $0x1;
	s11 =	sadd.s32 $0xFFFFFFFF, s11;
	[sflag:s4] =	ssyncadd.s32 $0xFFFF8000  }
0x17: {  	[tilespmem:s3], [sflag:$0x2] =	stream.linear.gather [hbm4b:s5+s3], $0x100, $0x38;
	[tilespmem:$0x8100] =	vst v63  }
0x18: {  	_ =	swait.ge [sflag:s4], $0x100  }
0x19: {  	[sflag:s4] =	ssyncset.done $0x0  }
0x1a: {  	[sflag:s4] =	ssyncadd.s32 $0xFFFFFF00  }
0x1b: {  	[tilespmem:s7], [sflag:$0x1] =	stream.indirect.gather [hbm4b:s2+s6], $0x80, s3, s6, $0xb8;
	[tilespmem:$0x8100] =	vst v63  }
0x1c: {  	_ =	swait.ge [sflag:s8], $0x4000  }
0x1d: {  	[sflag:s8] =	ssyncset.done $0x0  }
0x1e: {  	[sflag:s8] =	ssyncadd.s32 $0xFFFFC000  }
0x1f: {  	[tilespmem:s9], [sflag:$0x1] =	stream.indirect.gather [hbm4b:s2+s6], $0x80, s6, s6, $0xb8;
	[tilespmem:$0x8100] =	vst v63  }
0x20: {  	_ =	swait.ge [sflag:s8], $0x4000  }
.Ltmp1:
0x21: {  	[sflag:s8] =	ssyncset.done $0x0;
	(pc) =	sbr.rel @p0 .LBB2_1-.Ltmp1, $4  }
0x22: {  	[sflag:s8] =	ssyncadd.s32 $0xFFFFC000  }
0x23: {  	[hbm4b:s10+s3] =	stream.linear.scatter [tilespmem:s7], [sflag:$0x2], $0x8000, $0x38;
	[tilespmem:$0x8100] =	vst v63  }
0x24: {  	_ =	swait.ge [sflag:s4], $0x8000  }
0x25: {  	[sflag:s4] =	ssyncset.done $0x0  }
.LBB2_2:
0x26: {  	[sflag:s4] =	ssyncadd.s32 $0xFFFF8000  }
0x27: {  	_ =	sfence.sel $0x180000  }
0x28: {  	[bflag:$0x0] =	sbarrier.arrive $0xFFFF  }
0x29: {  	p0 =	sne.s32 s0, $0x0;
	_ =	strace $0x90000047  }
0x2a: {  	s0 =	sadd.s32 @!p0 $0x100000, s1;
	[bflag:$0x2] =	sbarrier.arrive $0xFFFF  }
0x2b: {  	[sflag:s0] =	ssyncadd.tile.s32 @!p0 $0x1;
	_ =	shalt  }
.Lfunc_end2:
_tile_overlayer_lowered:
.L_overlay_start_2:
0x2c: {  	(tag) =	ssettag $0x2  }
0x2d: {  	s0 =	rddreg [dreg:$0x0];
	s2 =	stileid.u32  }
0x2e: {  	s1 =	rddreg [dreg:$0x1];
	p0 =	sne.s32 s2, $0x0  }
0x2f: {  	s3 =	rddreg [dreg:$0x2];
	[bflag:$0x3] =	sbarrier.arrive $0xFFFF;
	s2 =	simm.s32 @!p0 $0x1C02  }
0x30: {  	[timem:s3], [sflag:s2] =	dma.local @!p0 [hbm:s0], s1  }
0x31: {  	s0 =	simm.s32 @!p0 $0x2  }
0x32: {  	_ =	swait.ge @!p0 [sflag:s0], s1  }
0x33: {  	s1 =	ssub.s32 @!p0 $0x0, s1;
	[sflag:s0] =	ssyncset.done @!p0 $0x0  }
0x34: {  	[sflag:s0] =	ssyncadd.s32 @!p0 s1  }
0x35: {  	[bflag:$0x3] =	sbarrier.arrive $0xFFFF  }
0x36: {  	_ =	shalt  }

</sc_bundles>
